<compile_context>
chip_gen: v7x
topology: tpu7x:2x2x1
jax: 0.10.2.dev20260603
libtpu: 0.0.44.dev20260713+nightly
codegen_flags: <defaults>
</compile_context>

<pallas_src>
import functools

import jax
import jax.numpy as jnp
from jax import lax
from jax.experimental import pallas as pl
from jax.experimental.pallas import tpu as pltpu
from jax.experimental.pallas import tpu_sc as plsc

_N_IN = 2
_BATCH = 8192
_CHANNELS = 4096
_NC = 2
_NS = 16
_LANES = 16
_ROWS_PER_TEC = _N_IN * _BATCH // (_NC * _NS)
_RB = 4
_NBLK = _ROWS_PER_TEC // _RB
_CHUNKS = _CHANNELS // _LANES

_mesh = plsc.VectorSubcoreMesh(core_axis_name="c", subcore_axis_name="s")


@functools.partial(
    pl.kernel,
    mesh=_mesh,
    out_type=jax.ShapeDtypeStruct((_N_IN * _BATCH, _CHANNELS), jnp.float32),
    scratch_types=[
        pltpu.VMEM_SHARED((_NS, _RB, _CHANNELS), jnp.float32),
        pltpu.VMEM((_RB, _CHANNELS), jnp.float32),
        pltpu.VMEM((_RB, _CHANNELS), jnp.float32),
        pltpu.VMEM((_RB, _CHANNELS), jnp.float32),
        pltpu.VMEM((_RB, _CHANNELS), jnp.float32),
        pltpu.SemaphoreType.DMA,
        pltpu.SemaphoreType.DMA,
        pltpu.SemaphoreType.DMA,
        pltpu.SemaphoreType.DMA,
    ],
    compiler_params=pltpu.CompilerParams(needs_layout_passes=False),
)
def _permute_rows(x_hbm, perm_hbm, out_hbm, shared,
                  in0, in1, in2, in3, sin0, sin1, sin2, sin3):
    cid = lax.axis_index("c")
    sid = lax.axis_index("s")

    in_bufs = (in0, in1, in2, in3)
    in_sems = (sin0, sin1, sin2, sin3)

    def in_copy(b):
        return pltpu.make_async_copy(
            shared.at[sid], in_bufs[b], in_sems[b])

    for b in range(4):
        in_copy(b).start()

    def outer(gg, carry):
        for b in range(4):
            in_copy(b).wait()

            @pl.when(4 * gg + b + 4 < _NBLK)
            def _():
                in_copy(b).start()

        return carry

    lax.fori_loop(0, _NBLK // 4, outer, 0)


def kernel(x, perm):
    out = _permute_rows(
        x.reshape(_N_IN * _BATCH, _CHANNELS), perm.astype(jnp.int32))
    return out.reshape(_N_IN, _BATCH, _CHANNELS)

# --- scband reference (transcript-rebuilt; emitter-appended) ---
"""Pipeline reference for scband-parallel-permute-81801947120193 (READ-ONLY COPY).

The authoritative reference and input builder live on the scoring server;
editing this copy changes nothing except your own understanding.
"""

import jax, jax.numpy as jnp
import numpy as np

N_INPUTS = 2
CHANNELS = 4096
BATCH = 8192
SEED = 0


def _build_perms():
    # Mirrors ParallelPermute.__init__: np.random.seed(seed), then one
    # np.random.permutation(in_channels[i]) per input, in order.
    np.random.seed(SEED)
    perms = []
    for _ in range(N_INPUTS):
        perms.append(np.random.permutation(CHANNELS))
    return jnp.asarray(np.stack(perms), dtype=jnp.int64)


def setup_inputs(seed: int = 0) -> dict:
    key = jax.random.key(seed)
    x = jax.random.normal(key, (N_INPUTS, BATCH, CHANNELS), dtype=jnp.float32)
    perm = _build_perms()
    return {"x": x, "perm": perm}


def reference(x, perm):
    # forward with rev=False: out[i] = x[i][:, perm[i]]
    outs = [jnp.take(x[i], perm[i], axis=1) for i in range(N_INPUTS)]
    return jnp.stack(outs, axis=0)

if __name__ == "__main__":
    import jax
    _d = setup_inputs()
    print(jax.jit(kernel)(*tuple(_d.values())))

</pallas_src>

<mosaic_0001>
#map = affine_map<(d0, d1) -> (0, 0)>
module attributes {stable_mosaic.version = 14 : i64} {
  func.func @_permute_rows(%arg0: i32, %arg1: i32, %arg2: memref<16384x4096xf32, #tpu.memory_space<hbm>>, %arg3: memref<2x4096xi32, #tpu.memory_space<hbm>>, %arg4: memref<16384x4096xf32, #tpu.memory_space<hbm>>, %arg5: memref<16x4x4096xf32, #tpu.memory_space<vmem_shared>>, %arg6: memref<4x4096xf32, #tpu.memory_space<vmem>>, %arg7: memref<4x4096xf32, #tpu.memory_space<vmem>>, %arg8: memref<4x4096xf32, #tpu.memory_space<vmem>>, %arg9: memref<4x4096xf32, #tpu.memory_space<vmem>>, %arg10: memref<!tpu.dma_semaphore, #tpu.memory_space<semaphore_mem>>, %arg11: memref<!tpu.dma_semaphore, #tpu.memory_space<semaphore_mem>>, %arg12: memref<!tpu.dma_semaphore, #tpu.memory_space<semaphore_mem>>, %arg13: memref<!tpu.dma_semaphore, #tpu.memory_space<semaphore_mem>>) attributes {dimension_semantics = [#tpu.dimension_semantics<core_parallel>, #tpu.dimension_semantics<subcore_parallel>], iteration_bounds = array<i64: 2, 16>, scalar_prefetch = 0 : i64, scratch_operands = 9 : i64, tpu.core_type = #tpu.core_type<sc_vector_subcore>, window_params = [{transform_indices = #map}, {transform_indices = #map}, {transform_indices = #map}]} {
    %dma_start3A = arith.constant 0 : i32
    %dma_start3A_0 = arith.constant 0 : i32
    %dma_start3A_1 = tpu.memref_slice %arg5[%arg1, %dma_start3A, %dma_start3A_0] : memref<16x4x4096xf32, #tpu.memory_space<vmem_shared>> -> memref<1x4x4096xf32, #tpu.memory_space<vmem_shared>>
    %dma_start3A_2 = tpu.memref_squeeze %dma_start3A_1 : memref<1x4x4096xf32, #tpu.memory_space<vmem_shared>> -> memref<4x4096xf32, #tpu.memory_space<vmem_shared>>
    %dma_start3A_3 = arith.constant 0 : i32
    %dma_start3A_4 = arith.constant 0 : i32
    %dma_start3A_5 = tpu.memref_slice %arg5[%arg1, %dma_start3A_3, %dma_start3A_4] : memref<16x4x4096xf32, #tpu.memory_space<vmem_shared>> -> memref<1x4x4096xf32, #tpu.memory_space<vmem_shared>>
    %dma_start3A_6 = tpu.memref_squeeze %dma_start3A_5 : memref<1x4x4096xf32, #tpu.memory_space<vmem_shared>> -> memref<4x4096xf32, #tpu.memory_space<vmem_shared>>
    tpu.enqueue_dma source(%dma_start3A_6 : memref<4x4096xf32, #tpu.memory_space<vmem_shared>>) target(%arg6 : memref<4x4096xf32, #tpu.memory_space<vmem>>) target_semaphore(%arg10 : memref<!tpu.dma_semaphore, #tpu.memory_space<semaphore_mem>>)
    %dma_start3A_7 = arith.constant 0 : i32
    %dma_start3A_8 = arith.constant 0 : i32
    %dma_start3A_9 = tpu.memref_slice %arg5[%arg1, %dma_start3A_7, %dma_start3A_8] : memref<16x4x4096xf32, #tpu.memory_space<vmem_shared>> -> memref<1x4x4096xf32, #tpu.memory_space<vmem_shared>>
    %dma_start3A_10 = tpu.memref_squeeze %dma_start3A_9 : memref<1x4x4096xf32, #tpu.memory_space<vmem_shared>> -> memref<4x4096xf32, #tpu.memory_space<vmem_shared>>
    %dma_start3A_11 = arith.constant 0 : i32
    %dma_start3A_12 = arith.constant 0 : i32
    %dma_start3A_13 = tpu.memref_slice %arg5[%arg1, %dma_start3A_11, %dma_start3A_12] : memref<16x4x4096xf32, #tpu.memory_space<vmem_shared>> -> memref<1x4x4096xf32, #tpu.memory_space<vmem_shared>>
    %dma_start3A_14 = tpu.memref_squeeze %dma_start3A_13 : memref<1x4x4096xf32, #tpu.memory_space<vmem_shared>> -> memref<4x4096xf32, #tpu.memory_space<vmem_shared>>
    tpu.enqueue_dma source(%dma_start3A_14 : memref<4x4096xf32, #tpu.memory_space<vmem_shared>>) target(%arg7 : memref<4x4096xf32, #tpu.memory_space<vmem>>) target_semaphore(%arg11 : memref<!tpu.dma_semaphore, #tpu.memory_space<semaphore_mem>>)
    %dma_start3A_15 = arith.constant 0 : i32
    %dma_start3A_16 = arith.constant 0 : i32
    %dma_start3A_17 = tpu.memref_slice %arg5[%arg1, %dma_start3A_15, %dma_start3A_16] : memref<16x4x4096xf32, #tpu.memory_space<vmem_shared>> -> memref<1x4x4096xf32, #tpu.memory_space<vmem_shared>>
    %dma_start3A_18 = tpu.memref_squeeze %dma_start3A_17 : memref<1x4x4096xf32, #tpu.memory_space<vmem_shared>> -> memref<4x4096xf32, #tpu.memory_space<vmem_shared>>
    %dma_start3A_19 = arith.constant 0 : i32
    %dma_start3A_20 = arith.constant 0 : i32
    %dma_start3A_21 = tpu.memref_slice %arg5[%arg1, %dma_start3A_19, %dma_start3A_20] : memref<16x4x4096xf32, #tpu.memory_space<vmem_shared>> -> memref<1x4x4096xf32, #tpu.memory_space<vmem_shared>>
    %dma_start3A_22 = tpu.memref_squeeze %dma_start3A_21 : memref<1x4x4096xf32, #tpu.memory_space<vmem_shared>> -> memref<4x4096xf32, #tpu.memory_space<vmem_shared>>
    tpu.enqueue_dma source(%dma_start3A_22 : memref<4x4096xf32, #tpu.memory_space<vmem_shared>>) target(%arg8 : memref<4x4096xf32, #tpu.memory_space<vmem>>) target_semaphore(%arg12 : memref<!tpu.dma_semaphore, #tpu.memory_space<semaphore_mem>>)
    %dma_start3A_23 = arith.constant 0 : i32
    %dma_start3A_24 = arith.constant 0 : i32
    %dma_start3A_25 = tpu.memref_slice %arg5[%arg1, %dma_start3A_23, %dma_start3A_24] : memref<16x4x4096xf32, #tpu.memory_space<vmem_shared>> -> memref<1x4x4096xf32, #tpu.memory_space<vmem_shared>>
    %dma_start3A_26 = tpu.memref_squeeze %dma_start3A_25 : memref<1x4x4096xf32, #tpu.memory_space<vmem_shared>> -> memref<4x4096xf32, #tpu.memory_space<vmem_shared>>
    %dma_start3A_27 = arith.constant 0 : i32
    %dma_start3A_28 = arith.constant 0 : i32
    %dma_start3A_29 = tpu.memref_slice %arg5[%arg1, %dma_start3A_27, %dma_start3A_28] : memref<16x4x4096xf32, #tpu.memory_space<vmem_shared>> -> memref<1x4x4096xf32, #tpu.memory_space<vmem_shared>>
    %dma_start3A_30 = tpu.memref_squeeze %dma_start3A_29 : memref<1x4x4096xf32, #tpu.memory_space<vmem_shared>> -> memref<4x4096xf32, #tpu.memory_space<vmem_shared>>
    tpu.enqueue_dma source(%dma_start3A_30 : memref<4x4096xf32, #tpu.memory_space<vmem_shared>>) target(%arg9 : memref<4x4096xf32, #tpu.memory_space<vmem>>) target_semaphore(%arg13 : memref<!tpu.dma_semaphore, #tpu.memory_space<semaphore_mem>>)
    %scan3A = arith.constant 0 : i32
    %scan3A_31 = arith.constant 0 : i32
    %scan3A_32 = arith.constant 32 : i32
    %scan3A_33 = arith.addi %scan3A_31, %scan3A_32 : i32
    %scan3A_34 = arith.constant 1 : i32
    scf.for %scan3A_36 = %scan3A_31 to %scan3A_33 step %scan3A_34  : i32 {
      %dma_wait3A = arith.constant 0 : i32
      %dma_wait3A_37 = arith.constant 0 : i32
      %dma_wait3A_38 = tpu.memref_slice %arg5[%arg1, %dma_wait3A, %dma_wait3A_37] : memref<16x4x4096xf32, #tpu.memory_space<vmem_shared>> -> memref<1x4x4096xf32, #tpu.memory_space<vmem_shared>>
      %dma_wait3A_39 = tpu.memref_squeeze %dma_wait3A_38 : memref<1x4x4096xf32, #tpu.memory_space<vmem_shared>> -> memref<4x4096xf32, #tpu.memory_space<vmem_shared>>
      %dma_wait3A_40 = arith.constant 0 : i32
      %dma_wait3A_41 = arith.constant 0 : i32
      %dma_wait3A_42 = tpu.memref_slice %arg5[%arg1, %dma_wait3A_40, %dma_wait3A_41] : memref<16x4x4096xf32, #tpu.memory_space<vmem_shared>> -> memref<1x4x4096xf32, #tpu.memory_space<vmem_shared>>
      %dma_wait3A_43 = tpu.memref_squeeze %dma_wait3A_42 : memref<1x4x4096xf32, #tpu.memory_space<vmem_shared>> -> memref<4x4096xf32, #tpu.memory_space<vmem_shared>>
      tpu.wait_dma2 semaphore(%arg10 : memref<!tpu.dma_semaphore, #tpu.memory_space<semaphore_mem>>) src(%dma_wait3A_43 : memref<4x4096xf32, #tpu.memory_space<vmem_shared>>) dst(%arg6 : memref<4x4096xf32, #tpu.memory_space<vmem>>)
      %mul3A = arith.constant 4 : i32
      %mul3A_44 = arith.muli %mul3A, %scan3A_36 : i32
      %add3A = arith.constant 0 : i32
      %add3A_45 = arith.addi %mul3A_44, %add3A : i32
      %add3A_46 = arith.constant 4 : i32
      %add3A_47 = arith.addi %add3A_45, %add3A_46 : i32
      %lt3A = arith.constant 128 : i32
      %lt3A_48 = arith.cmpi slt, %add3A_47, %lt3A : i32
      %convert_element_type3A = arith.extui %lt3A_48 : i1 to i32
      %cond3A = arith.constant 0 : i32
      %cond3A_49 = arith.cmpi ne, %convert_element_type3A, %cond3A : i32
      scf.if %cond3A_49 {
        %dma_start3A_107 = arith.constant 0 : i32
        %dma_start3A_108 = arith.constant 0 : i32
        %dma_start3A_109 = tpu.memref_slice %arg5[%arg1, %dma_start3A_107, %dma_start3A_108] : memref<16x4x4096xf32, #tpu.memory_space<vmem_shared>> -> memref<1x4x4096xf32, #tpu.memory_space<vmem_shared>>
        %dma_start3A_110 = tpu.memref_squeeze %dma_start3A_109 : memref<1x4x4096xf32, #tpu.memory_space<vmem_shared>> -> memref<4x4096xf32, #tpu.memory_space<vmem_shared>>
        %dma_start3A_111 = arith.constant 0 : i32
        %dma_start3A_112 = arith.constant 0 : i32
        %dma_start3A_113 = tpu.memref_slice %arg5[%arg1, %dma_start3A_111, %dma_start3A_112] : memref<16x4x4096xf32, #tpu.memory_space<vmem_shared>> -> memref<1x4x4096xf32, #tpu.memory_space<vmem_shared>>
        %dma_start3A_114 = tpu.memref_squeeze %dma_start3A_113 : memref<1x4x4096xf32, #tpu.memory_space<vmem_shared>> -> memref<4x4096xf32, #tpu.memory_space<vmem_shared>>
        tpu.enqueue_dma source(%dma_start3A_114 : memref<4x4096xf32, #tpu.memory_space<vmem_shared>>) target(%arg6 : memref<4x4096xf32, #tpu.memory_space<vmem>>) target_semaphore(%arg10 : memref<!tpu.dma_semaphore, #tpu.memory_space<semaphore_mem>>)
      } else {
      }
      %dma_wait3A_50 = arith.constant 0 : i32
      %dma_wait3A_51 = arith.constant 0 : i32
      %dma_wait3A_52 = tpu.memref_slice %arg5[%arg1, %dma_wait3A_50, %dma_wait3A_51] : memref<16x4x4096xf32, #tpu.memory_space<vmem_shared>> -> memref<1x4x4096xf32, #tpu.memory_space<vmem_shared>>
      %dma_wait3A_53 = tpu.memref_squeeze %dma_wait3A_52 : memref<1x4x4096xf32, #tpu.memory_space<vmem_shared>> -> memref<4x4096xf32, #tpu.memory_space<vmem_shared>>
      %dma_wait3A_54 = arith.constant 0 : i32
      %dma_wait3A_55 = arith.constant 0 : i32
      %dma_wait3A_56 = tpu.memref_slice %arg5[%arg1, %dma_wait3A_54, %dma_wait3A_55] : memref<16x4x4096xf32, #tpu.memory_space<vmem_shared>> -> memref<1x4x4096xf32, #tpu.memory_space<vmem_shared>>
      %dma_wait3A_57 = tpu.memref_squeeze %dma_wait3A_56 : memref<1x4x4096xf32, #tpu.memory_space<vmem_shared>> -> memref<4x4096xf32, #tpu.memory_space<vmem_shared>>
      tpu.wait_dma2 semaphore(%arg11 : memref<!tpu.dma_semaphore, #tpu.memory_space<semaphore_mem>>) src(%dma_wait3A_57 : memref<4x4096xf32, #tpu.memory_space<vmem_shared>>) dst(%arg7 : memref<4x4096xf32, #tpu.memory_space<vmem>>)
      %mul3A_58 = arith.constant 4 : i32
      %mul3A_59 = arith.muli %mul3A_58, %scan3A_36 : i32
      %add3A_60 = arith.constant 1 : i32
      %add3A_61 = arith.addi %mul3A_59, %add3A_60 : i32
      %add3A_62 = arith.constant 4 : i32
      %add3A_63 = arith.addi %add3A_61, %add3A_62 : i32
      %lt3A_64 = arith.constant 128 : i32
      %lt3A_65 = arith.cmpi slt, %add3A_63, %lt3A_64 : i32
      %convert_element_type3A_66 = arith.extui %lt3A_65 : i1 to i32
      %cond3A_67 = arith.constant 0 : i32
      %cond3A_68 = arith.cmpi ne, %convert_element_type3A_66, %cond3A_67 : i32
      scf.if %cond3A_68 {
        %dma_start3A_107 = arith.constant 0 : i32
        %dma_start3A_108 = arith.constant 0 : i32
        %dma_start3A_109 = tpu.memref_slice %arg5[%arg1, %dma_start3A_107, %dma_start3A_108] : memref<16x4x4096xf32, #tpu.memory_space<vmem_shared>> -> memref<1x4x4096xf32, #tpu.memory_space<vmem_shared>>
        %dma_start3A_110 = tpu.memref_squeeze %dma_start3A_109 : memref<1x4x4096xf32, #tpu.memory_space<vmem_shared>> -> memref<4x4096xf32, #tpu.memory_space<vmem_shared>>
        %dma_start3A_111 = arith.constant 0 : i32
        %dma_start3A_112 = arith.constant 0 : i32
        %dma_start3A_113 = tpu.memref_slice %arg5[%arg1, %dma_start3A_111, %dma_start3A_112] : memref<16x4x4096xf32, #tpu.memory_space<vmem_shared>> -> memref<1x4x4096xf32, #tpu.memory_space<vmem_shared>>
        %dma_start3A_114 = tpu.memref_squeeze %dma_start3A_113 : memref<1x4x4096xf32, #tpu.memory_space<vmem_shared>> -> memref<4x4096xf32, #tpu.memory_space<vmem_shared>>
        tpu.enqueue_dma source(%dma_start3A_114 : memref<4x4096xf32, #tpu.memory_space<vmem_shared>>) target(%arg7 : memref<4x4096xf32, #tpu.memory_space<vmem>>) target_semaphore(%arg11 : memref<!tpu.dma_semaphore, #tpu.memory_space<semaphore_mem>>)
      } else {
      }
      %dma_wait3A_69 = arith.constant 0 : i32
      %dma_wait3A_70 = arith.constant 0 : i32
      %dma_wait3A_71 = tpu.memref_slice %arg5[%arg1, %dma_wait3A_69, %dma_wait3A_70] : memref<16x4x4096xf32, #tpu.memory_space<vmem_shared>> -> memref<1x4x4096xf32, #tpu.memory_space<vmem_shared>>
      %dma_wait3A_72 = tpu.memref_squeeze %dma_wait3A_71 : memref<1x4x4096xf32, #tpu.memory_space<vmem_shared>> -> memref<4x4096xf32, #tpu.memory_space<vmem_shared>>
      %dma_wait3A_73 = arith.constant 0 : i32
      %dma_wait3A_74 = arith.constant 0 : i32
      %dma_wait3A_75 = tpu.memref_slice %arg5[%arg1, %dma_wait3A_73, %dma_wait3A_74] : memref<16x4x4096xf32, #tpu.memory_space<vmem_shared>> -> memref<1x4x4096xf32, #tpu.memory_space<vmem_shared>>
      %dma_wait3A_76 = tpu.memref_squeeze %dma_wait3A_75 : memref<1x4x4096xf32, #tpu.memory_space<vmem_shared>> -> memref<4x4096xf32, #tpu.memory_space<vmem_shared>>
      tpu.wait_dma2 semaphore(%arg12 : memref<!tpu.dma_semaphore, #tpu.memory_space<semaphore_mem>>) src(%dma_wait3A_76 : memref<4x4096xf32, #tpu.memory_space<vmem_shared>>) dst(%arg8 : memref<4x4096xf32, #tpu.memory_space<vmem>>)
      %mul3A_77 = arith.constant 4 : i32
      %mul3A_78 = arith.muli %mul3A_77, %scan3A_36 : i32
      %add3A_79 = arith.constant 2 : i32
      %add3A_80 = arith.addi %mul3A_78, %add3A_79 : i32
      %add3A_81 = arith.constant 4 : i32
      %add3A_82 = arith.addi %add3A_80, %add3A_81 : i32
      %lt3A_83 = arith.constant 128 : i32
      %lt3A_84 = arith.cmpi slt, %add3A_82, %lt3A_83 : i32
      %convert_element_type3A_85 = arith.extui %lt3A_84 : i1 to i32
      %cond3A_86 = arith.constant 0 : i32
      %cond3A_87 = arith.cmpi ne, %convert_element_type3A_85, %cond3A_86 : i32
      scf.if %cond3A_87 {
        %dma_start3A_107 = arith.constant 0 : i32
        %dma_start3A_108 = arith.constant 0 : i32
        %dma_start3A_109 = tpu.memref_slice %arg5[%arg1, %dma_start3A_107, %dma_start3A_108] : memref<16x4x4096xf32, #tpu.memory_space<vmem_shared>> -> memref<1x4x4096xf32, #tpu.memory_space<vmem_shared>>
        %dma_start3A_110 = tpu.memref_squeeze %dma_start3A_109 : memref<1x4x4096xf32, #tpu.memory_space<vmem_shared>> -> memref<4x4096xf32, #tpu.memory_space<vmem_shared>>
        %dma_start3A_111 = arith.constant 0 : i32
        %dma_start3A_112 = arith.constant 0 : i32
        %dma_start3A_113 = tpu.memref_slice %arg5[%arg1, %dma_start3A_111, %dma_start3A_112] : memref<16x4x4096xf32, #tpu.memory_space<vmem_shared>> -> memref<1x4x4096xf32, #tpu.memory_space<vmem_shared>>
        %dma_start3A_114 = tpu.memref_squeeze %dma_start3A_113 : memref<1x4x4096xf32, #tpu.memory_space<vmem_shared>> -> memref<4x4096xf32, #tpu.memory_space<vmem_shared>>
        tpu.enqueue_dma source(%dma_start3A_114 : memref<4x4096xf32, #tpu.memory_space<vmem_shared>>) target(%arg8 : memref<4x4096xf32, #tpu.memory_space<vmem>>) target_semaphore(%arg12 : memref<!tpu.dma_semaphore, #tpu.memory_space<semaphore_mem>>)
      } else {
      }
      %dma_wait3A_88 = arith.constant 0 : i32
      %dma_wait3A_89 = arith.constant 0 : i32
      %dma_wait3A_90 = tpu.memref_slice %arg5[%arg1, %dma_wait3A_88, %dma_wait3A_89] : memref<16x4x4096xf32, #tpu.memory_space<vmem_shared>> -> memref<1x4x4096xf32, #tpu.memory_space<vmem_shared>>
      %dma_wait3A_91 = tpu.memref_squeeze %dma_wait3A_90 : memref<1x4x4096xf32, #tpu.memory_space<vmem_shared>> -> memref<4x4096xf32, #tpu.memory_space<vmem_shared>>
      %dma_wait3A_92 = arith.constant 0 : i32
      %dma_wait3A_93 = arith.constant 0 : i32
      %dma_wait3A_94 = tpu.memref_slice %arg5[%arg1, %dma_wait3A_92, %dma_wait3A_93] : memref<16x4x4096xf32, #tpu.memory_space<vmem_shared>> -> memref<1x4x4096xf32, #tpu.memory_space<vmem_shared>>
      %dma_wait3A_95 = tpu.memref_squeeze %dma_wait3A_94 : memref<1x4x4096xf32, #tpu.memory_space<vmem_shared>> -> memref<4x4096xf32, #tpu.memory_space<vmem_shared>>
      tpu.wait_dma2 semaphore(%arg13 : memref<!tpu.dma_semaphore, #tpu.memory_space<semaphore_mem>>) src(%dma_wait3A_95 : memref<4x4096xf32, #tpu.memory_space<vmem_shared>>) dst(%arg9 : memref<4x4096xf32, #tpu.memory_space<vmem>>)
      %mul3A_96 = arith.constant 4 : i32
      %mul3A_97 = arith.muli %mul3A_96, %scan3A_36 : i32
      %add3A_98 = arith.constant 3 : i32
      %add3A_99 = arith.addi %mul3A_97, %add3A_98 : i32
      %add3A_100 = arith.constant 4 : i32
      %add3A_101 = arith.addi %add3A_99, %add3A_100 : i32
      %lt3A_102 = arith.constant 128 : i32
      %lt3A_103 = arith.cmpi slt, %add3A_101, %lt3A_102 : i32
      %convert_element_type3A_104 = arith.extui %lt3A_103 : i1 to i32
      %cond3A_105 = arith.constant 0 : i32
      %cond3A_106 = arith.cmpi ne, %convert_element_type3A_104, %cond3A_105 : i32
      scf.if %cond3A_106 {
        %dma_start3A_107 = arith.constant 0 : i32
        %dma_start3A_108 = arith.constant 0 : i32
        %dma_start3A_109 = tpu.memref_slice %arg5[%arg1, %dma_start3A_107, %dma_start3A_108] : memref<16x4x4096xf32, #tpu.memory_space<vmem_shared>> -> memref<1x4x4096xf32, #tpu.memory_space<vmem_shared>>
        %dma_start3A_110 = tpu.memref_squeeze %dma_start3A_109 : memref<1x4x4096xf32, #tpu.memory_space<vmem_shared>> -> memref<4x4096xf32, #tpu.memory_space<vmem_shared>>
        %dma_start3A_111 = arith.constant 0 : i32
        %dma_start3A_112 = arith.constant 0 : i32
        %dma_start3A_113 = tpu.memref_slice %arg5[%arg1, %dma_start3A_111, %dma_start3A_112] : memref<16x4x4096xf32, #tpu.memory_space<vmem_shared>> -> memref<1x4x4096xf32, #tpu.memory_space<vmem_shared>>
        %dma_start3A_114 = tpu.memref_squeeze %dma_start3A_113 : memref<1x4x4096xf32, #tpu.memory_space<vmem_shared>> -> memref<4x4096xf32, #tpu.memory_space<vmem_shared>>
        tpu.enqueue_dma source(%dma_start3A_114 : memref<4x4096xf32, #tpu.memory_space<vmem_shared>>) target(%arg9 : memref<4x4096xf32, #tpu.memory_space<vmem>>) target_semaphore(%arg13 : memref<!tpu.dma_semaphore, #tpu.memory_space<semaphore_mem>>)
      } else {
      }
    }
    %scan3A_35 = arith.constant 32 : i32
    return
  }
}

</mosaic_0001>

<sc_bundles>
// kernel: kernel.3.cloned.1.call-start
scs
__scs_entry_jumppad:
0x0: {  	(pc) =	sbr.rel $0x88, $3  }
0x1: {  	(tag) =	ssettag $0x0;
	lr =	simm.s32 $0x1  }
0x2: {  	[smem:$0x3F9F] =	sst lr;
	_ =	strace $0xD0000000  }
0x3: {  	_ = 	snop  }
0x4: {  	_ = 	snop  }
0x5: {  	_ = 	snop  }
0x6: {  	_ = 	snop  }
0x7: {  	_ = 	snop  }
__scs_overlays_trampoline_lowered:
0x8: {  	[smem:$0x3FAE] =	sst s0  }
0x9: {  	[smem:$0x3FAF] =	sst s1  }
0xa: {  	[smem:$0x3FB0] =	sst s2  }
0xb: {  	[smem:$0x3FB1] =	sst s3  }
0xc: {  	[smem:$0x3FB2] =	sst s4  }
0xd: {  	[smem:$0x3FB3] =	sst s5  }
0xe: {  	[smem:$0x3FB4] =	sst s6  }
0xf: {  	[smem:$0x3FB5] =	sst s7  }
0x10: {  	[smem:$0x3FB6] =	sst s8  }
0x11: {  	[smem:$0x3FB7] =	sst s9;
	s0 =	simm.s32 @!p0 $0x0  }
0x12: {  	s1 =	sld [smem:$0x3F9D];
	s0 =	simm.s32 @p0 $0x1  }
0x13: {  	[smem:$0x3FB8] =	sst s0;
	s0 =	simm.s32 @!p1 $0x0  }
0x14: {  	s2 =	sld [smem:$0x3F9C];
	s0 =	simm.s32 @p1 $0x1  }
0x15: {  	[smem:$0x3FB9] =	sst s0;
	s0 =	simm.s32 @!p2 $0x0  }
0x16: {  	s3 =	sld [smem:$0x3FDB];
	s0 =	simm.s32 @p2 $0x1  }
0x17: {  	s4 =	simm.s32 $0x1BF5;
	[smem:$0x3FBB] =	sst s0  }
0x18: {  	s0 =	sld [smem:$0x3F9E];
	_ =	swait.ge [sflag:s4], $0x0  }
0x19: {  	s7 =	sld [smem:$0x3F9F]  }
0x1a: {  	s8 =	sadd.s32 $0xFFFFE003, lr  }
0x1b: {  	s9 =	sadd.s32 $0xFFFFFEF7, lr;
	s5 =	simm.s32 $0xFFFFFFFF;
	p2 =	slt.u32 s8, $0xFFFFF086  }
0x1c: {  	p1 =	slt.u32 s9, $0xF7A;
	s5 =	simm.s32 @!p2 $0x0  }
0x1d: {  	s5 =	simm.s32 @p1 $0x1;
	p0 =	seq.s32 s7, s2  }
0x1e: {  	s7 =	smul.u32 @!p0 $0xF7A, s2;
	p2 =	seq.s32 @!p0 s5, $0x0  }
0x1f: {  	s9 =	smul.u32 $0xF7A, s1;
	s8 =	simm.s32 @!p0 $0x1BF5;
	p2 =	por !p2, p0  }
0x20: {  	[sflag:s8] =	ssyncset.s32 @!p0 $0xFFFFF086;
	s6 =	sadd.s32 @!p0 s3, s7;
	s7 =	simm.s32 @!p0 $0x108  }
0x21: {  	s3 =	sadd.s32 s3, s9;
	s6 =	sadd.s32 @!p0 $0x88, s6;
	s7 =	simm.s32 @p2 $0x1082  }
0x22: {  	[simem:s7], [sflag:s8] =	dma.local @!p0 [hbm:s6], $0xF7A  }
0x23: {  	s9 =	sor.u32 $0xD0000000, s2;
	s6 =	simm.s32 $0x108;
	_ =	swait.ge @!p0 [sflag:s8], $0x0  }
0x24: {  	s3 =	sadd.s32 $0x88, s3;
	s6 =	simm.s32 @!p1 $0x1082;
	[sflag:s4] =	ssyncset.s32 $0xFFFFF086  }
0x25: {  	[simem:s6], [sflag:s4] =	dma.local [hbm:s3], $0xF7A  }
0x26: {  	[smem:$0x3F9F] =	sst s1;
	(tag) =	ssettag s2;
	_ =	strace s9  }
0x27: {  	s1 =	sld [smem:$0x3FAF]  }
0x28: {  	s2 =	sld [smem:$0x3FB0]  }
0x29: {  	s4 =	sld [smem:$0x3FB2]  }
0x2a: {  	p0 =	seq.s32 s5, $0x0;
	s5 =	sld [smem:$0x3FB3]  }
0x2b: {  	s6 =	sld [smem:$0x3FB4]  }
0x2c: {  	s7 =	sld [smem:$0x3FB5]  }
0x2d: {  	s3 =	simm.s32 $0x108;
	s8 =	sld [smem:$0x3FB6]  }
0x2e: {  	s3 =	simm.s32 @!p0 $0x1082;
	s9 =	sld [smem:$0x3FB7]  }
0x2f: {  	lr =	sadd.s32 s0, s3;
	s0 =	sld [smem:$0x3FAE]  }
0x30: {  	s3 =	sld [smem:$0x3FB1]  }
0x31: {  	[smem:$0x3FBA] =	sst s10  }
0x32: {  	s10 =	sld [smem:$0x3FB8];
	_ =	sdelay $0x3  }
0x33: {  	p0 =	seq.s32 s10, $0x1;
	s10 =	sld [smem:$0x3FBA];
	_ =	sdelay $0x3  }
0x34: {  	[smem:$0x3FBA] =	sst s10  }
0x35: {  	s10 =	sld [smem:$0x3FB9];
	_ =	sdelay $0x3  }
0x36: {  	p1 =	seq.s32 s10, $0x1;
	s10 =	sld [smem:$0x3FBA];
	_ =	sdelay $0x3  }
0x37: {  	[smem:$0x3FBA] =	sst s10  }
0x38: {  	s10 =	sld [smem:$0x3FBB]  }
0x39: {  	_ = 	snop;
	(pc) =	sbr.ind lr, $3  }
0x3a: {  	_ = 	snop  }
0x3b: {  	_ = 	snop  }
0x3c: {  	p2 =	seq.s32 s10, $0x1;
	s10 =	sld [smem:$0x3FBA]  }
0x3d: {  	_ =	shalt  }
0x3e: {  	_ =	shalt  }
0x3f: {  	_ =	shalt  }
0x40: {  	_ =	shalt  }
0x41: {  	_ =	shalt  }
0x42: {  	_ =	shalt  }
0x43: {  	_ =	shalt  }
0x44: {  	_ =	shalt  }
0x45: {  	_ =	shalt  }
0x46: {  	_ =	shalt  }
0x47: {  	_ =	shalt  }
0x48: {  	_ =	shalt  }
0x49: {  	_ =	shalt  }
0x4a: {  	_ =	shalt  }
0x4b: {  	_ =	shalt  }
0x4c: {  	_ =	shalt  }
0x4d: {  	_ =	shalt  }
0x4e: {  	_ =	shalt  }
0x4f: {  	_ =	shalt  }
0x50: {  	_ =	shalt  }
0x51: {  	_ =	shalt  }
0x52: {  	_ =	shalt  }
0x53: {  	_ =	shalt  }
0x54: {  	_ =	shalt  }
0x55: {  	_ =	shalt  }
0x56: {  	_ =	shalt  }
0x57: {  	_ =	shalt  }
0x58: {  	_ =	shalt  }
0x59: {  	_ =	shalt  }
0x5a: {  	_ =	shalt  }
0x5b: {  	_ =	shalt  }
0x5c: {  	_ =	shalt  }
0x5d: {  	_ =	shalt  }
0x5e: {  	_ =	shalt  }
0x5f: {  	_ =	shalt  }
0x60: {  	_ =	shalt  }
0x61: {  	_ =	shalt  }
0x62: {  	_ =	shalt  }
0x63: {  	_ =	shalt  }
0x64: {  	_ =	shalt  }
0x65: {  	_ =	shalt  }
0x66: {  	_ =	shalt  }
0x67: {  	_ =	shalt  }
0x68: {  	_ =	shalt  }
0x69: {  	_ =	shalt  }
0x6a: {  	_ =	shalt  }
0x6b: {  	_ =	shalt  }
0x6c: {  	_ =	shalt  }
0x6d: {  	_ =	shalt  }
0x6e: {  	_ =	shalt  }
0x6f: {  	_ =	shalt  }
0x70: {  	_ =	shalt  }
0x71: {  	_ =	shalt  }
0x72: {  	_ =	shalt  }
0x73: {  	_ =	shalt  }
0x74: {  	_ =	shalt  }
0x75: {  	_ =	shalt  }
0x76: {  	_ =	shalt  }
0x77: {  	_ =	shalt  }
0x78: {  	_ =	shalt  }
0x79: {  	_ =	shalt  }
0x7a: {  	_ =	shalt  }
0x7b: {  	_ =	shalt  }
0x7c: {  	_ =	shalt  }
0x7d: {  	_ =	shalt  }
0x7e: {  	_ =	shalt  }
0x7f: {  	_ =	shalt  }
0x80: {  	_ =	shalt  }
0x81: {  	_ =	shalt  }
0x82: {  	_ =	shalt  }
0x83: {  	_ =	shalt  }
0x84: {  	_ =	shalt  }
0x85: {  	_ =	shalt  }
0x86: {  	_ =	shalt  }
0x87: {  	_ =	shalt  }
.Lfunc_end0:
.L_simem_size_0:
called_computation_lowered:
.L_overlay_start_0:
0x88: {  	s1 =	sld [smem:$0x3FD9]  }
0x89: {  	s2 =	sld [smem:$0x3FFE];
	_ =	sdelay $0x1  }
0x8a: {  	s3 =	srdreg.scid  }
0x8b: {  	s0 =	sand.u32 $0x1, s3  }
0x8c: {  	s17 =	sshll.u32 s0, $0xA;
	s1 =	sadd.s32 s2, s1  }
0x8d: {  	s1 =	sadd.s32 s1, s17  }
0x8e: {  	[smem:$0x3FC6] =	sst s1  }
0x8f: {  	_ = 	snop  }
0x90: {  	(tm) =	ssettm $0x1  }
0x91: {  	s18 =	sld [smem:$0x3FFB];
	_ =	sdelay $0x3  }
0x92: {  	_ =	strace s18  }
0x93: {  	s1 =	sld [smem:$0x3FFC];
	_ =	sdelay $0x3  }
0x94: {  	_ =	strace s1  }
0x95: {  	s1 =	sld [smem:$0x3FFD];
	_ =	sdelay $0x3  }
0x96: {  	_ =	strace s1  }
0x97: {  	_ =	strace $0x8FFFFFFF  }
0x98: {  	s19 =	sld [smem:$0x3FDB];
	_ =	sdelay $0x1  }
0x99: {  	s20 =	simm.s32 $_scs_section_size  }
0x9a: {  	s4 =	simm.s32 $_size__tile_overlayer_lowered;
	s5 =	simm.s32 $_tile_overlayer_lowered  }
0x9b: {  	s23 =	simm.s32 $0x1BFF;
	s22 =	sshll.u32 s5, $0x1;
	s1 =	sadd.s32 s20, s19  }
0x9c: {  	s6 =	simm.s32 $0x0;
	s21 =	sshll.u32 s4, $0x1;
	s4 =	sadd.s32 s22, s1  }
0x9d: {  	[timem:s6], [sflag:s23] =	dma.local [hbm:s4], s21  }
0x9e: {  	_ =	swait.ge [sflag:s23], s21  }
0x9f: {  	s2 =	ssub.s32 $0x0, s21;
	[sflag:s23] =	ssyncset.done $0x0  }
0xa0: {  	[sflag:s23] =	ssyncadd.s32 s2;
	_ =	sdelay $0x1  }
0xa1: {  	s24 =	simm.s32 $0x1B8B  }
0xa2: {  	_ =	swait.ge [sflag:s24], $0x1  }
0xa3: {  	[sflag:s24] =	ssyncset.done $0x0  }
0xa4: {  	s25 =	simm.s32 $0x1B8E;
	[sflag:s24] =	ssyncadd.s32 $0xFFFFFFFF  }
0xa5: {  	s26 =	simm.s32 $execute0_lowered;
	[smem:$0x3FD2] =	sst s25  }
0xa6: {  	s2 =	sshll.u32 s26, $0x1;
	_ =	strace $0x80000046;
	[dreg:$0x1] =	wrdreg $0xFFFFFFFF  }
0xa7: {  	s28 =	simm.s32 $_size_execute0_lowered;
	s1 =	sadd.s32 s1, s2;
	[dreg:$0x0] =	wrdreg $0x0  }
0xa8: {  	s2 =	sshll.u32 s28, $0x1;
	[dreg:$0x2] =	wrdreg s1  }
0xa9: {  	[dreg:$0x3] =	wrdreg s2  }
0xaa: {  	[dreg:$0x4] =	wrdreg $0xC0  }
0xab: {  	_ =	task [dreg:s6], $0x5FFFF  }
0xac: {  	[dreg:$0x1] =	wrdreg $0xFFFFFFFF  }
0xad: {  	[dreg:$0x0] =	wrdreg $0x60  }
0xae: {  	[dreg:$0x2] =	wrdreg $0x0  }
0xaf: {  	[dreg:$0x3] =	wrdreg $0x9  }
0xb0: {  	_ =	task.clear_ibuf [dreg:s6], $0x4FFFF;
	_ =	strace $0x90000046  }
0xb1: {  	s29 =	simm.s32 $0x9;
	_ =	strace $0x80000048  }
0xb2: {  	_ =	swait.ge [sflag:s29], $0x1  }
0xb3: {  	[sflag:s29] =	ssyncadd.s32 $0xFFFFFFFF  }
0xb4: {  	_ =	strace $0x90000048  }
0xb5: {  	_ =	sfence  }
0xb6: {  	s30 =	sld [smem:$0x0];
	_ =	sdelay $0x2  }
0xb7: {  	s31 =	sshll.u32 s3, $0xD;
	s3 =	sshrl.u32 s3, $0x2  }
0xb8: {  	s2 =	sand.u32 $0x4000, s31;
	s1 =	sadd.s32 s3, s30  }
0xb9: {  	s0 =	sor.u32 s2, s0;
	s1 =	sshll.u32 s1, $0x11  }
0xba: {  	s0 =	sor.u32 s1, s0  }
0xbb: {  	s0 =	sadd.s32 $0x8F2B, s0  }
0xbc: {  	[sflag:s0] =	ssyncadd.remote.s32 $0x1  }
0xbd: {  	_ =	sfence.sel $0xFFFF  }
0xbe: {  	[dreg:$0x0] =	wrdreg $0xFFFFFFFF;
	(pc) =	sbr.abs _section_cstart, $3  }
0xbf: {  	[dreg:$0x1] =	wrdreg $0xFFFFFFFF  }
0xc0: {  	_ =	task.clear_ibuf [dreg:s6], $0x2FFFF;
	_ =	strace $0x9FFFFFFF  }
0xc1: {  	(tm) =	ssettm $0x7FFFFFFF  }
tec
execute0_lowered:
.L_overlay_start_1:
0x0: {  	(tag) =	ssettag $0x1  }
0x1: {  	s0 =	srdreg.scid  }
0x2: {  	s3 =	rddreg [dreg:$0x0];
	s1 =	stileid.u32  }
0x3: {  	s5 =	simm.s32 $0x4000;
	s6 =	simm.s32 $0x8000;
	s7 =	simm.s32 $0xC000  }
0x4: {  	s8 =	simm.s32 $0x10000;
	s9 =	simm.s32 $0x1;
	s0 =	sand.u32 $0x1, s0  }
0x5: {  	s10 =	simm.s32 $0x2;
	s11 =	simm.s32 $0x3;
	s2 =	ssub.s32 $0x2, s0  }
0x6: {  	s12 =	simm.s32 $0x4;
	s31 =	sshll.u32 s1, $0xE;
	s4 =	sshrl.u32 s2, $0x1  }
0x7: {  	s0 =	rddreg [dreg:$0x1];
	_ =	strace $0x80000047;
	s4 =	ssub.s32 s2, s4  }
0x8: {  	s2 =	sadd.s32 s31, s3;
	s3 =	smax.u32 s4, $0x1;
	s4 =	simm.s32 $0x0  }
.LBB2_1:
0x9: {  	[tilespmem:s5], [sflag:$0x1] =	stream.linear.gather [spmem:s2], $0x4000, $0x38;
	[tilespmem:$0x14000] =	vst v63  }
0xa: {  	_ = 	snop  }
0xb: {  	[tilespmem:s6], [sflag:$0x2] =	stream.linear.gather [spmem:s2], $0x4000, $0x38;
	[tilespmem:$0x14000] =	vst v63  }
0xc: {  	_ = 	snop  }
0xd: {  	[tilespmem:s7], [sflag:$0x3] =	stream.linear.gather [spmem:s2], $0x4000, $0x38;
	[tilespmem:$0x14000] =	vst v63  }
0xe: {  	_ = 	snop  }
0xf: {  	[tilespmem:s8], [sflag:$0x4] =	stream.linear.gather [spmem:s2], $0x4000, $0x38;
	[tilespmem:$0x14000] =	vst v63  }
0x10: {  	_ =	swait.ge [sflag:s9], $0x4000  }
0x11: {  	[sflag:s9] =	ssyncset.done $0x0  }
0x12: {  	[sflag:s9] =	ssyncadd.s32 $0xFFFFC000  }
0x13: {  	[tilespmem:s5], [sflag:$0x1] =	stream.linear.gather [spmem:s2], $0x4000, $0x38;
	[tilespmem:$0x14000] =	vst v63  }
0x14: {  	_ =	swait.ge [sflag:s10], $0x4000  }
0x15: {  	[sflag:s10] =	ssyncset.done $0x0  }
0x16: {  	[sflag:s10] =	ssyncadd.s32 $0xFFFFC000  }
0x17: {  	[tilespmem:s6], [sflag:$0x2] =	stream.linear.gather [spmem:s2], $0x4000, $0x38;
	[tilespmem:$0x14000] =	vst v63  }
0x18: {  	_ =	swait.ge [sflag:s11], $0x4000  }
0x19: {  	[sflag:s11] =	ssyncset.done $0x0  }
0x1a: {  	[sflag:s11] =	ssyncadd.s32 $0xFFFFC000  }
0x1b: {  	[tilespmem:s7], [sflag:$0x3] =	stream.linear.gather [spmem:s2], $0x4000, $0x38;
	[tilespmem:$0x14000] =	vst v63  }
0x1c: {  	_ =	swait.ge [sflag:s12], $0x4000  }
0x1d: {  	[sflag:s12] =	ssyncset.done $0x0  }
0x1e: {  	s13 =	simm.s32 $0x1E;
	[sflag:s12] =	ssyncadd.s32 $0xFFFFC000  }
.LBB2_2:
0x1f: {  	[tilespmem:s8], [sflag:$0x4] =	stream.linear.gather [spmem:s2], $0x4000, $0x38;
	[tilespmem:$0x14000] =	vst v63  }
0x20: {  	p0 =	sne.s32 s13, $0x1;
	s13 =	sadd.s32 $0xFFFFFFFF, s13;
	_ =	swait.ge [sflag:s9], $0x4000  }
0x21: {  	[sflag:s9] =	ssyncset.done $0x0  }
0x22: {  	[sflag:s9] =	ssyncadd.s32 $0xFFFFC000  }
0x23: {  	[tilespmem:s5], [sflag:$0x1] =	stream.linear.gather [spmem:s2], $0x4000, $0x38;
	[tilespmem:$0x14000] =	vst v63  }
0x24: {  	_ =	swait.ge [sflag:s10], $0x4000  }
0x25: {  	[sflag:s10] =	ssyncset.done $0x0  }
0x26: {  	[sflag:s10] =	ssyncadd.s32 $0xFFFFC000  }
0x27: {  	[tilespmem:s6], [sflag:$0x2] =	stream.linear.gather [spmem:s2], $0x4000, $0x38;
	[tilespmem:$0x14000] =	vst v63  }
0x28: {  	_ =	swait.ge [sflag:s11], $0x4000  }
0x29: {  	[sflag:s11] =	ssyncset.done $0x0  }
.Ltmp0:
0x2a: {  	[sflag:s11] =	ssyncadd.s32 $0xFFFFC000;
	(pc) =	sbr.rel @p0 .LBB2_2-.Ltmp0, $4  }
0x2b: {  	[tilespmem:s7], [sflag:$0x3] =	stream.linear.gather [spmem:s2], $0x4000, $0x38;
	[tilespmem:$0x14000] =	vst v63  }
0x2c: {  	_ =	swait.ge [sflag:s12], $0x4000  }
0x2d: {  	[sflag:s12] =	ssyncset.done $0x0  }
0x2e: {  	[sflag:s12] =	ssyncadd.s32 $0xFFFFC000  }
0x2f: {  	[tilespmem:s8], [sflag:$0x4] =	stream.linear.gather [spmem:s2], $0x4000, $0x38;
	[tilespmem:$0x14000] =	vst v63  }
0x30: {  	_ =	swait.ge [sflag:s9], $0x4000  }
0x31: {  	[sflag:s9] =	ssyncset.done $0x0  }
0x32: {  	[sflag:s9] =	ssyncadd.s32 $0xFFFFC000  }
0x33: {  	_ =	swait.ge [sflag:s10], $0x4000  }
0x34: {  	[sflag:s10] =	ssyncset.done $0x0  }
0x35: {  	s4 =	sadd.s32 $0x1, s4;
	[sflag:s10] =	ssyncadd.s32 $0xFFFFC000  }
0x36: {  	p0 =	sne.s32 s4, s3;
	_ =	swait.ge [sflag:s11], $0x4000  }
.Ltmp1:
0x37: {  	[sflag:s11] =	ssyncset.done $0x0;
	(pc) =	sbr.rel @p0 .LBB2_1-.Ltmp1, $4  }
0x38: {  	[sflag:s11] =	ssyncadd.s32 $0xFFFFC000  }
0x39: {  	_ =	swait.ge [sflag:s12], $0x4000  }
0x3a: {  	[sflag:s12] =	ssyncset.done $0x0  }
0x3b: {  	[sflag:s12] =	ssyncadd.s32 $0xFFFFC000  }
0x3c: {  	_ =	sfence.sel $0x180000  }
0x3d: {  	[bflag:$0x0] =	sbarrier.arrive $0xFFFF  }
0x3e: {  	p0 =	sne.s32 s1, $0x0;
	_ =	strace $0x90000047  }
0x3f: {  	s0 =	sadd.s32 @!p0 $0x100000, s0;
	[bflag:$0x2] =	sbarrier.arrive $0xFFFF  }
0x40: {  	[sflag:s0] =	ssyncadd.tile.s32 @!p0 $0x1;
	_ =	shalt  }
.Lfunc_end2:
_tile_overlayer_lowered:
.L_overlay_start_2:
0x41: {  	(tag) =	ssettag $0x2  }
0x42: {  	s0 =	rddreg [dreg:$0x0];
	s2 =	stileid.u32  }
0x43: {  	s1 =	rddreg [dreg:$0x1];
	p0 =	sne.s32 s2, $0x0  }
0x44: {  	s3 =	rddreg [dreg:$0x2];
	[bflag:$0x3] =	sbarrier.arrive $0xFFFF;
	s2 =	simm.s32 @!p0 $0x1C05  }
0x45: {  	[timem:s3], [sflag:s2] =	dma.local @!p0 [hbm:s0], s1  }
0x46: {  	s0 =	simm.s32 @!p0 $0x5  }
0x47: {  	_ =	swait.ge @!p0 [sflag:s0], s1  }
0x48: {  	s1 =	ssub.s32 @!p0 $0x0, s1;
	[sflag:s0] =	ssyncset.done @!p0 $0x0  }
0x49: {  	[sflag:s0] =	ssyncadd.s32 @!p0 s1  }
0x4a: {  	[bflag:$0x3] =	sbarrier.arrive $0xFFFF  }
0x4b: {  	_ =	shalt  }

</sc_bundles>
